<compile_context>
chip_gen: v7x
topology: tpu7x:2x2x1
jax: 0.10.2.dev20260603
libtpu: 0.0.44.dev20260713+nightly
codegen_flags: <defaults>
</compile_context>

<pallas_src>
import functools

import jax
import jax.numpy as jnp
from jax import lax
from jax.experimental import pallas as pl
from jax.experimental.pallas import tpu as pltpu
from jax.experimental.pallas import tpu_sc as plsc

_FIXEDLEN = 4096
_PAD_VALUE = 1.0
_B = 16
_HALF = _FIXEDLEN // 2
_LANES = 16
_WIN = _FIXEDLEN + _LANES
_BUF = 2 * _FIXEDLEN + _WIN + 2 * _LANES


@functools.lru_cache(maxsize=None)
def _make_densify(total: int):
    mesh = plsc.VectorSubcoreMesh(
        core_axis_name="c", subcore_axis_name="s", num_cores=1)

    @functools.partial(
        pl.kernel,
        mesh=mesh,
        out_type=jax.ShapeDtypeStruct((_B, _FIXEDLEN), jnp.float32),
        scratch_types=[
            pltpu.VMEM((32,), jnp.int32),
            pltpu.VMEM((_BUF,), jnp.float32),
            pltpu.VMEM((_FIXEDLEN,), jnp.float32),
            pltpu.SemaphoreType.DMA,
        ],
    )
    def densify(flat_hbm, cu_hbm, out_hbm, cu_v, buf_v, out_v, sem):
        row = lax.axis_index("s")

        pltpu.sync_copy(cu_hbm, cu_v.at[pl.ds(0, _B + 1)])
        cuw = cu_v[pl.ds(row, _LANES)]
        start = cuw[0]
        lim = cuw[1] - start

        aligned = jnp.minimum((start // 8) * 8, total - _WIN)
        win = pl.multiple_of(aligned, 8)
        r = start - win
        pltpu.sync_copy(flat_hbm.at[pl.ds(win, _WIN)], buf_v.at[pl.ds(0, _WIN)])

        def half(lo):
            @plsc.parallel_loop(lo, lo + _HALF, _LANES, unroll=8)
            def body(off):
                vals = buf_v[pl.ds(r + off, _LANES)]
                pos = lax.iota(jnp.int32, _LANES) + off
                out_v[pl.ds(off, _LANES)] = jnp.where(
                    pos < lim, vals, jnp.float32(_PAD_VALUE))

        half(0)
        h0 = pltpu.make_async_copy(
            out_v.at[pl.ds(0, _HALF)],
            out_hbm.at[row, pl.ds(0, _HALF)], sem)
        h0.start()
        half(_HALF)
        h1 = pltpu.make_async_copy(
            out_v.at[pl.ds(_HALF, _HALF)],
            out_hbm.at[row, pl.ds(_HALF, _HALF)], sem)
        h1.start()
        h0.wait()
        h1.wait()

    return densify


def kernel(flat_values, cu_seqlens):
    return _make_densify(flat_values.shape[0])(
        flat_values, cu_seqlens.astype(jnp.int32))

# --- scband reference (transcript-rebuilt; emitter-appended) ---
"""Pipeline reference for scband-spmnumericalizer-54872502173882 (READ-ONLY COPY).

The authoritative reference and input builder live on the scoring server;
editing this copy changes nothing except your own understanding.
"""

import jax, jax.numpy as jnp
import numpy as np

FIXEDLEN = 4096
PAD_VALUE = 1.0


def setup_inputs(seed: int = 0) -> dict:
    key = jax.random.key(seed)
    k1, k2 = jax.random.split(key)
    # flat ragged token stream (float proxy for token-id values so the op is differentiable)
    flat_values = jax.random.normal(k1, (32768,), dtype=jnp.float32)
    # cumulative sequence offsets for 16 ragged rows over 32768 total tokens
    cu_seqlens = jnp.sort(jax.random.randint(k2, (17,), 0, 32768, dtype=jnp.int32))
    return {"flat_values": flat_values, "cu_seqlens": cu_seqlens}


def reference(flat_values, cu_seqlens):
    # Faithful numeric core of SPMNumericalizer.call with fixedlen set:
    #   ret.to_tensor(pad_value)  -> ragged-to-dense densification
    #   tf.pad(..., [[0,0],[0,fixedlen]], constant_values=pad_value) then [:, :fixedlen]
    #   -> every row is padded/truncated to exactly fixedlen with pad_value
    total = flat_values.shape[0]
    starts = cu_seqlens[:-1][:, None]                      # [B, 1]
    lens = (cu_seqlens[1:] - cu_seqlens[:-1])[:, None]     # [B, 1]
    pos = jnp.arange(FIXEDLEN, dtype=jnp.int32)[None, :]   # [1, F]
    idx = jnp.clip(starts + pos, 0, total - 1)             # [B, F]
    gathered = jnp.take(flat_values, idx, axis=0)          # gather (SparseCore-friendly)
    valid = pos < lens                                     # row-length mask (truncate to fixedlen implicit)
    out = jnp.where(valid, gathered, jnp.float32(PAD_VALUE))
    return out

if __name__ == "__main__":
    import jax
    _d = setup_inputs()
    print(jax.jit(kernel)(*tuple(_d.values())))

</pallas_src>

<mosaic_0001>
#map = affine_map<(d0, d1) -> (0)>
#map1 = affine_map<(d0, d1) -> (0, 0)>
module attributes {stable_mosaic.version = 14 : i64} {
  func.func @densify(%arg0: i32, %arg1: i32, %arg2: memref<32768xf32, #tpu.memory_space<hbm>>, %arg3: memref<17xi32, #tpu.memory_space<hbm>>, %arg4: memref<16x4096xf32, #tpu.memory_space<hbm>>, %arg5: memref<32xi32, #tpu.memory_space<vmem>>, %arg6: memref<12336xf32, #tpu.memory_space<vmem>>, %arg7: memref<4096xf32, #tpu.memory_space<vmem>>, %arg8: memref<!tpu.dma_semaphore, #tpu.memory_space<semaphore_mem>>) attributes {dimension_semantics = [#tpu.dimension_semantics<core_parallel>, #tpu.dimension_semantics<subcore_parallel>], iteration_bounds = array<i64: 1, 16>, scalar_prefetch = 0 : i64, scratch_operands = 4 : i64, tpu.core_type = #tpu.core_type<sc_vector_subcore>, window_params = [{transform_indices = #map}, {transform_indices = #map}, {transform_indices = #map1}]} {
    "tpu.region"() ({
      %run_scoped3A = tpu.sem_alloc : memref<!tpu.dma_semaphore, #tpu.memory_space<semaphore_mem>>
      %dma_start3A_67 = arith.constant 0 : i32
      %dma_start3A_68 = tpu.memref_slice %arg5[%dma_start3A_67] : memref<32xi32, #tpu.memory_space<vmem>> -> memref<17xi32, #tpu.memory_space<vmem>>
      %dma_start3A_69 = arith.constant 0 : i32
      %dma_start3A_70 = tpu.memref_slice %arg5[%dma_start3A_69] : memref<32xi32, #tpu.memory_space<vmem>> -> memref<17xi32, #tpu.memory_space<vmem>>
      tpu.enqueue_dma source(%arg3 : memref<17xi32, #tpu.memory_space<hbm>>) target(%dma_start3A_70 : memref<17xi32, #tpu.memory_space<vmem>>) target_semaphore(%run_scoped3A : memref<!tpu.dma_semaphore, #tpu.memory_space<semaphore_mem>>)
      %dma_wait3A_71 = arith.constant 0 : i32
      %dma_wait3A_72 = tpu.memref_slice %arg5[%dma_wait3A_71] : memref<32xi32, #tpu.memory_space<vmem>> -> memref<17xi32, #tpu.memory_space<vmem>>
      %dma_wait3A_73 = arith.constant 0 : i32
      %dma_wait3A_74 = tpu.memref_slice %arg5[%dma_wait3A_73] : memref<32xi32, #tpu.memory_space<vmem>> -> memref<17xi32, #tpu.memory_space<vmem>>
      tpu.wait_dma2 semaphore(%run_scoped3A : memref<!tpu.dma_semaphore, #tpu.memory_space<semaphore_mem>>) src(%arg3 : memref<17xi32, #tpu.memory_space<hbm>>) dst(%dma_wait3A_74 : memref<17xi32, #tpu.memory_space<vmem>>)
      tpu.yield
    }) : () -> ()
    %get3A = arith.index_cast %arg1 : i32 to index
    %get3A_0 = tpu.vector_load %arg5[%get3A] {strides = array<i32>} : memref<32xi32, #tpu.memory_space<vmem>>, vector<16xi32>,
    %get3A_1 = vector.shape_cast %get3A_0 : vector<16xi32> to vector<16xi32>
    %slice3A = vector.extract_strided_slice %get3A_1 {offsets = [0], sizes = [1], strides = [1]} : vector<16xi32> to vector<1xi32>
    %squeeze3A = vector.extract %slice3A[0] : i32 from vector<1xi32>
    %slice3A_2 = vector.extract_strided_slice %get3A_1 {offsets = [1], sizes = [1], strides = [1]} : vector<16xi32> to vector<1xi32>
    %squeeze3A_3 = vector.extract %slice3A_2[0] : i32 from vector<1xi32>
    %sub3A = arith.subi %squeeze3A_3, %squeeze3A : i32
    %jit3A = arith.constant 8 : i32
    %div3A = arith.divsi %squeeze3A, %jit3A : i32
    %sign3A = arith.constant 0 : i32
    %sign3A_4 = arith.cmpi sgt, %squeeze3A, %sign3A : i32
    %sign3A_5 = arith.extui %sign3A_4 : i1 to i32
    %sign3A_6 = arith.constant 0 : i32
    %sign3A_7 = arith.cmpi slt, %squeeze3A, %sign3A_6 : i32
    %sign3A_8 = arith.extui %sign3A_7 : i1 to i32
    %sign3A_9 = arith.subi %sign3A_5, %sign3A_8 : i32
    %sign3A_10 = arith.constant 0 : i32
    %sign3A_11 = arith.cmpi sgt, %jit3A, %sign3A_10 : i32
    %sign3A_12 = arith.extui %sign3A_11 : i1 to i32
    %sign3A_13 = arith.constant 0 : i32
    %sign3A_14 = arith.cmpi slt, %jit3A, %sign3A_13 : i32
    %sign3A_15 = arith.extui %sign3A_14 : i1 to i32
    %sign3A_16 = arith.subi %sign3A_12, %sign3A_15 : i32
    %ne3A = arith.cmpi ne, %sign3A_9, %sign3A_16 : i32
    %rem3A = arith.remsi %squeeze3A, %jit3A : i32
    %ne3A_17 = arith.constant 0 : i32
    %ne3A_18 = arith.cmpi ne, %rem3A, %ne3A_17 : i32
    %and3A = arith.andi %ne3A, %ne3A_18 : i1
    %sub3A_19 = arith.constant 1 : i32
    %sub3A_20 = arith.subi %div3A, %sub3A_19 : i32
    %select_n3A = arith.select %and3A, %sub3A_20, %div3A : i32
    %mul3A = arith.constant 8 : i32
    %mul3A_21 = arith.muli %select_n3A, %mul3A : i32
    %min3A = arith.constant 28656 : i32
    %min3A_22 = arith.minsi %mul3A_21, %min3A : i32
    %multiple_of3A = tpu.assume_multiple %min3A_22, 8 : i32
    %sub3A_23 = arith.subi %squeeze3A, %multiple_of3A : i32
    "tpu.region"() ({
      %run_scoped3A = tpu.sem_alloc : memref<!tpu.dma_semaphore, #tpu.memory_space<semaphore_mem>>
      %dma_start3A_67 = arith.constant 0 : i32
      %dma_start3A_68 = tpu.memref_slice %arg6[%dma_start3A_67] : memref<12336xf32, #tpu.memory_space<vmem>> -> memref<4112xf32, #tpu.memory_space<vmem>>
      %dma_start3A_69 = tpu.memref_slice %arg2[%multiple_of3A] : memref<32768xf32, #tpu.memory_space<hbm>> -> memref<4112xf32, #tpu.memory_space<hbm>>
      %dma_start3A_70 = arith.constant 0 : i32
      %dma_start3A_71 = tpu.memref_slice %arg6[%dma_start3A_70] : memref<12336xf32, #tpu.memory_space<vmem>> -> memref<4112xf32, #tpu.memory_space<vmem>>
      %dma_start3A_72 = tpu.memref_slice %arg2[%multiple_of3A] : memref<32768xf32, #tpu.memory_space<hbm>> -> memref<4112xf32, #tpu.memory_space<hbm>>
      tpu.enqueue_dma source(%dma_start3A_72 : memref<4112xf32, #tpu.memory_space<hbm>>) target(%dma_start3A_71 : memref<4112xf32, #tpu.memory_space<vmem>>) target_semaphore(%run_scoped3A : memref<!tpu.dma_semaphore, #tpu.memory_space<semaphore_mem>>)
      %dma_wait3A_73 = arith.constant 0 : i32
      %dma_wait3A_74 = tpu.memref_slice %arg6[%dma_wait3A_73] : memref<12336xf32, #tpu.memory_space<vmem>> -> memref<4112xf32, #tpu.memory_space<vmem>>
      %dma_wait3A_75 = tpu.memref_slice %arg2[%multiple_of3A] : memref<32768xf32, #tpu.memory_space<hbm>> -> memref<4112xf32, #tpu.memory_space<hbm>>
      %dma_wait3A_76 = arith.constant 0 : i32
      %dma_wait3A_77 = tpu.memref_slice %arg6[%dma_wait3A_76] : memref<12336xf32, #tpu.memory_space<vmem>> -> memref<4112xf32, #tpu.memory_space<vmem>>
      %dma_wait3A_78 = tpu.memref_slice %arg2[%multiple_of3A] : memref<32768xf32, #tpu.memory_space<hbm>> -> memref<4112xf32, #tpu.memory_space<hbm>>
      tpu.wait_dma2 semaphore(%run_scoped3A : memref<!tpu.dma_semaphore, #tpu.memory_space<semaphore_mem>>) src(%dma_wait3A_78 : memref<4112xf32, #tpu.memory_space<hbm>>) dst(%dma_wait3A_77 : memref<4112xf32, #tpu.memory_space<vmem>>)
      tpu.yield
    }) : () -> ()
    %parallel_loop3A = arith.constant 0 : i32
    %parallel_loop3A_24 = arith.constant 2048 : i32
    %parallel_loop3A_25 = arith.constant 16 : i32
    scf.for %parallel_loop3A_67 = %parallel_loop3A to %parallel_loop3A_24 step %parallel_loop3A_25  : i32 {
      %parallel_loop3A_68 = arith.addi %sub3A_23, %parallel_loop3A_67 : i32
      %parallel_loop3A_69 = arith.index_cast %parallel_loop3A_68 : i32 to index
      %parallel_loop3A_70 = tpu.vector_load %arg6[%parallel_loop3A_69] {strides = array<i32>} : memref<12336xf32, #tpu.memory_space<vmem>>, vector<16xf32>,
      %parallel_loop3A_71 = vector.shape_cast %parallel_loop3A_70 : vector<16xf32> to vector<16xf32>
      %parallel_loop3A_72 = tpu.iota {dimensions = array<i32: 0>} : vector<16xi32>
      %parallel_loop3A_73 = vector.broadcast %parallel_loop3A_67 : i32 to vector<16xi32>
      %parallel_loop3A_74 = arith.addi %parallel_loop3A_72, %parallel_loop3A_73 : vector<16xi32>
      %parallel_loop3A_75 = vector.broadcast %sub3A : i32 to vector<16xi32>
      %parallel_loop3A_76 = arith.cmpi slt, %parallel_loop3A_74, %parallel_loop3A_75 : vector<16xi32>
      %parallel_loop3A_77 = arith.constant 1.000000e+00 : f32
      %parallel_loop3A_78 = vector.broadcast %parallel_loop3A_77 : f32 to vector<16xf32>
      %parallel_loop3A_79 = arith.select %parallel_loop3A_76, %parallel_loop3A_71, %parallel_loop3A_78 : vector<16xi1>, vector<16xf32>
      %parallel_loop3A_80 = arith.index_cast %parallel_loop3A_67 : i32 to index
      %parallel_loop3A_81 = tpu.vector_load %arg7[%parallel_loop3A_80] {strides = array<i32>} : memref<4096xf32, #tpu.memory_space<vmem>>, vector<16xf32>,
      %parallel_loop3A_82 = vector.shape_cast %parallel_loop3A_81 : vector<16xf32> to vector<16xf32>
      %parallel_loop3A_83 = vector.shape_cast %parallel_loop3A_79 : vector<16xf32> to vector<16xf32>
      tpu.vector_store %arg7[%parallel_loop3A_80], %parallel_loop3A_83 {strides = array<i32>} : memref<4096xf32, #tpu.memory_space<vmem>>, vector<16xf32>,
    } {sc.loop_unroll_factor = 8 : i64, sc.parallel_access}
    %dma_start3A = arith.constant 0 : i32
    %dma_start3A_26 = tpu.memref_slice %arg7[%dma_start3A] : memref<4096xf32, #tpu.memory_space<vmem>> -> memref<2048xf32, #tpu.memory_space<vmem>>
    %dma_start3A_27 = arith.constant 0 : i32
    %dma_start3A_28 = tpu.memref_slice %arg4[%arg1, %dma_start3A_27] : memref<16x4096xf32, #tpu.memory_space<hbm>> -> memref<1x2048xf32, #tpu.memory_space<hbm>>
    %dma_start3A_29 = tpu.memref_squeeze %dma_start3A_28 : memref<1x2048xf32, #tpu.memory_space<hbm>> -> memref<2048xf32, #tpu.memory_space<hbm>>
    %dma_start3A_30 = arith.constant 0 : i32
    %dma_start3A_31 = tpu.memref_slice %arg4[%arg1, %dma_start3A_30] : memref<16x4096xf32, #tpu.memory_space<hbm>> -> memref<1x2048xf32, #tpu.memory_space<hbm>>
    %dma_start3A_32 = tpu.memref_squeeze %dma_start3A_31 : memref<1x2048xf32, #tpu.memory_space<hbm>> -> memref<2048xf32, #tpu.memory_space<hbm>>
    %dma_start3A_33 = arith.constant 0 : i32
    %dma_start3A_34 = tpu.memref_slice %arg7[%dma_start3A_33] : memref<4096xf32, #tpu.memory_space<vmem>> -> memref<2048xf32, #tpu.memory_space<vmem>>
    tpu.enqueue_dma source(%dma_start3A_34 : memref<2048xf32, #tpu.memory_space<vmem>>) target(%dma_start3A_32 : memref<2048xf32, #tpu.memory_space<hbm>>) target_semaphore(%arg8 : memref<!tpu.dma_semaphore, #tpu.memory_space<semaphore_mem>>)
    %parallel_loop3A_35 = arith.constant 2048 : i32
    %parallel_loop3A_36 = arith.constant 4096 : i32
    %parallel_loop3A_37 = arith.constant 16 : i32
    scf.for %parallel_loop3A_67 = %parallel_loop3A_35 to %parallel_loop3A_36 step %parallel_loop3A_37  : i32 {
      %parallel_loop3A_68 = arith.addi %sub3A_23, %parallel_loop3A_67 : i32
      %parallel_loop3A_69 = arith.index_cast %parallel_loop3A_68 : i32 to index
      %parallel_loop3A_70 = tpu.vector_load %arg6[%parallel_loop3A_69] {strides = array<i32>} : memref<12336xf32, #tpu.memory_space<vmem>>, vector<16xf32>,
      %parallel_loop3A_71 = vector.shape_cast %parallel_loop3A_70 : vector<16xf32> to vector<16xf32>
      %parallel_loop3A_72 = tpu.iota {dimensions = array<i32: 0>} : vector<16xi32>
      %parallel_loop3A_73 = vector.broadcast %parallel_loop3A_67 : i32 to vector<16xi32>
      %parallel_loop3A_74 = arith.addi %parallel_loop3A_72, %parallel_loop3A_73 : vector<16xi32>
      %parallel_loop3A_75 = vector.broadcast %sub3A : i32 to vector<16xi32>
      %parallel_loop3A_76 = arith.cmpi slt, %parallel_loop3A_74, %parallel_loop3A_75 : vector<16xi32>
      %parallel_loop3A_77 = arith.constant 1.000000e+00 : f32
      %parallel_loop3A_78 = vector.broadcast %parallel_loop3A_77 : f32 to vector<16xf32>
      %parallel_loop3A_79 = arith.select %parallel_loop3A_76, %parallel_loop3A_71, %parallel_loop3A_78 : vector<16xi1>, vector<16xf32>
      %parallel_loop3A_80 = arith.index_cast %parallel_loop3A_67 : i32 to index
      %parallel_loop3A_81 = tpu.vector_load %arg7[%parallel_loop3A_80] {strides = array<i32>} : memref<4096xf32, #tpu.memory_space<vmem>>, vector<16xf32>,
      %parallel_loop3A_82 = vector.shape_cast %parallel_loop3A_81 : vector<16xf32> to vector<16xf32>
      %parallel_loop3A_83 = vector.shape_cast %parallel_loop3A_79 : vector<16xf32> to vector<16xf32>
      tpu.vector_store %arg7[%parallel_loop3A_80], %parallel_loop3A_83 {strides = array<i32>} : memref<4096xf32, #tpu.memory_space<vmem>>, vector<16xf32>,
    } {sc.loop_unroll_factor = 8 : i64, sc.parallel_access}
    %dma_start3A_38 = arith.constant 2048 : i32
    %dma_start3A_39 = tpu.memref_slice %arg7[%dma_start3A_38] : memref<4096xf32, #tpu.memory_space<vmem>> -> memref<2048xf32, #tpu.memory_space<vmem>>
    %dma_start3A_40 = arith.constant 2048 : i32
    %dma_start3A_41 = tpu.memref_slice %arg4[%arg1, %dma_start3A_40] : memref<16x4096xf32, #tpu.memory_space<hbm>> -> memref<1x2048xf32, #tpu.memory_space<hbm>>
    %dma_start3A_42 = tpu.memref_squeeze %dma_start3A_41 : memref<1x2048xf32, #tpu.memory_space<hbm>> -> memref<2048xf32, #tpu.memory_space<hbm>>
    %dma_start3A_43 = arith.constant 2048 : i32
    %dma_start3A_44 = tpu.memref_slice %arg4[%arg1, %dma_start3A_43] : memref<16x4096xf32, #tpu.memory_space<hbm>> -> memref<1x2048xf32, #tpu.memory_space<hbm>>
    %dma_start3A_45 = tpu.memref_squeeze %dma_start3A_44 : memref<1x2048xf32, #tpu.memory_space<hbm>> -> memref<2048xf32, #tpu.memory_space<hbm>>
    %dma_start3A_46 = arith.constant 2048 : i32
    %dma_start3A_47 = tpu.memref_slice %arg7[%dma_start3A_46] : memref<4096xf32, #tpu.memory_space<vmem>> -> memref<2048xf32, #tpu.memory_space<vmem>>
    tpu.enqueue_dma source(%dma_start3A_47 : memref<2048xf32, #tpu.memory_space<vmem>>) target(%dma_start3A_45 : memref<2048xf32, #tpu.memory_space<hbm>>) target_semaphore(%arg8 : memref<!tpu.dma_semaphore, #tpu.memory_space<semaphore_mem>>)
    %dma_wait3A = arith.constant 0 : i32
    %dma_wait3A_48 = tpu.memref_slice %arg7[%dma_wait3A] : memref<4096xf32, #tpu.memory_space<vmem>> -> memref<2048xf32, #tpu.memory_space<vmem>>
    %dma_wait3A_49 = arith.constant 0 : i32
    %dma_wait3A_50 = tpu.memref_slice %arg4[%arg1, %dma_wait3A_49] : memref<16x4096xf32, #tpu.memory_space<hbm>> -> memref<1x2048xf32, #tpu.memory_space<hbm>>
    %dma_wait3A_51 = tpu.memref_squeeze %dma_wait3A_50 : memref<1x2048xf32, #tpu.memory_space<hbm>> -> memref<2048xf32, #tpu.memory_space<hbm>>
    %dma_wait3A_52 = arith.constant 0 : i32
    %dma_wait3A_53 = tpu.memref_slice %arg4[%arg1, %dma_wait3A_52] : memref<16x4096xf32, #tpu.memory_space<hbm>> -> memref<1x2048xf32, #tpu.memory_space<hbm>>
    %dma_wait3A_54 = tpu.memref_squeeze %dma_wait3A_53 : memref<1x2048xf32, #tpu.memory_space<hbm>> -> memref<2048xf32, #tpu.memory_space<hbm>>
    %dma_wait3A_55 = arith.constant 0 : i32
    %dma_wait3A_56 = tpu.memref_slice %arg7[%dma_wait3A_55] : memref<4096xf32, #tpu.memory_space<vmem>> -> memref<2048xf32, #tpu.memory_space<vmem>>
    tpu.wait_dma2 semaphore(%arg8 : memref<!tpu.dma_semaphore, #tpu.memory_space<semaphore_mem>>) src(%dma_wait3A_56 : memref<2048xf32, #tpu.memory_space<vmem>>) dst(%dma_wait3A_54 : memref<2048xf32, #tpu.memory_space<hbm>>)
    %dma_wait3A_57 = arith.constant 2048 : i32
    %dma_wait3A_58 = tpu.memref_slice %arg7[%dma_wait3A_57] : memref<4096xf32, #tpu.memory_space<vmem>> -> memref<2048xf32, #tpu.memory_space<vmem>>
    %dma_wait3A_59 = arith.constant 2048 : i32
    %dma_wait3A_60 = tpu.memref_slice %arg4[%arg1, %dma_wait3A_59] : memref<16x4096xf32, #tpu.memory_space<hbm>> -> memref<1x2048xf32, #tpu.memory_space<hbm>>
    %dma_wait3A_61 = tpu.memref_squeeze %dma_wait3A_60 : memref<1x2048xf32, #tpu.memory_space<hbm>> -> memref<2048xf32, #tpu.memory_space<hbm>>
    %dma_wait3A_62 = arith.constant 2048 : i32
    %dma_wait3A_63 = tpu.memref_slice %arg4[%arg1, %dma_wait3A_62] : memref<16x4096xf32, #tpu.memory_space<hbm>> -> memref<1x2048xf32, #tpu.memory_space<hbm>>
    %dma_wait3A_64 = tpu.memref_squeeze %dma_wait3A_63 : memref<1x2048xf32, #tpu.memory_space<hbm>> -> memref<2048xf32, #tpu.memory_space<hbm>>
    %dma_wait3A_65 = arith.constant 2048 : i32
    %dma_wait3A_66 = tpu.memref_slice %arg7[%dma_wait3A_65] : memref<4096xf32, #tpu.memory_space<vmem>> -> memref<2048xf32, #tpu.memory_space<vmem>>
    tpu.wait_dma2 semaphore(%arg8 : memref<!tpu.dma_semaphore, #tpu.memory_space<semaphore_mem>>) src(%dma_wait3A_66 : memref<2048xf32, #tpu.memory_space<vmem>>) dst(%dma_wait3A_64 : memref<2048xf32, #tpu.memory_space<hbm>>)
    return
  }
}

</mosaic_0001>

<sc_bundles>
// kernel: kernel.3.cloned.1.call-start
scs
__scs_entry_jumppad:
0x0: {  	(pc) =	sbr.rel $0x88, $3  }
0x1: {  	(tag) =	ssettag $0x0;
	lr =	simm.s32 $0x1  }
0x2: {  	[smem:$0x3F9F] =	sst lr;
	_ =	strace $0xD0000000  }
0x3: {  	_ = 	snop  }
0x4: {  	_ = 	snop  }
0x5: {  	_ = 	snop  }
0x6: {  	_ = 	snop  }
0x7: {  	_ = 	snop  }
__scs_overlays_trampoline_lowered:
0x8: {  	[smem:$0x3FAE] =	sst s0  }
0x9: {  	[smem:$0x3FAF] =	sst s1  }
0xa: {  	[smem:$0x3FB0] =	sst s2  }
0xb: {  	[smem:$0x3FB1] =	sst s3  }
0xc: {  	[smem:$0x3FB2] =	sst s4  }
0xd: {  	[smem:$0x3FB3] =	sst s5  }
0xe: {  	[smem:$0x3FB4] =	sst s6  }
0xf: {  	[smem:$0x3FB5] =	sst s7  }
0x10: {  	[smem:$0x3FB6] =	sst s8  }
0x11: {  	[smem:$0x3FB7] =	sst s9;
	s0 =	simm.s32 @!p0 $0x0  }
0x12: {  	s1 =	sld [smem:$0x3F9D];
	s0 =	simm.s32 @p0 $0x1  }
0x13: {  	[smem:$0x3FB8] =	sst s0;
	s0 =	simm.s32 @!p1 $0x0  }
0x14: {  	s2 =	sld [smem:$0x3F9C];
	s0 =	simm.s32 @p1 $0x1  }
0x15: {  	[smem:$0x3FB9] =	sst s0;
	s0 =	simm.s32 @!p2 $0x0  }
0x16: {  	s3 =	sld [smem:$0x3FDB];
	s0 =	simm.s32 @p2 $0x1  }
0x17: {  	s4 =	simm.s32 $0x1BF5;
	[smem:$0x3FBB] =	sst s0  }
0x18: {  	s0 =	sld [smem:$0x3F9E];
	_ =	swait.ge [sflag:s4], $0x0  }
0x19: {  	s7 =	sld [smem:$0x3F9F]  }
0x1a: {  	s8 =	sadd.s32 $0xFFFFE003, lr  }
0x1b: {  	s9 =	sadd.s32 $0xFFFFFEF7, lr;
	s5 =	simm.s32 $0xFFFFFFFF;
	p2 =	slt.u32 s8, $0xFFFFF086  }
0x1c: {  	p1 =	slt.u32 s9, $0xF7A;
	s5 =	simm.s32 @!p2 $0x0  }
0x1d: {  	s5 =	simm.s32 @p1 $0x1;
	p0 =	seq.s32 s7, s2  }
0x1e: {  	s7 =	smul.u32 @!p0 $0xF7A, s2;
	p2 =	seq.s32 @!p0 s5, $0x0  }
0x1f: {  	s9 =	smul.u32 $0xF7A, s1;
	s8 =	simm.s32 @!p0 $0x1BF5;
	p2 =	por !p2, p0  }
0x20: {  	[sflag:s8] =	ssyncset.s32 @!p0 $0xFFFFF086;
	s6 =	sadd.s32 @!p0 s3, s7;
	s7 =	simm.s32 @!p0 $0x108  }
0x21: {  	s3 =	sadd.s32 s3, s9;
	s6 =	sadd.s32 @!p0 $0x88, s6;
	s7 =	simm.s32 @p2 $0x1082  }
0x22: {  	[simem:s7], [sflag:s8] =	dma.local @!p0 [hbm:s6], $0xF7A  }
0x23: {  	s9 =	sor.u32 $0xD0000000, s2;
	s6 =	simm.s32 $0x108;
	_ =	swait.ge @!p0 [sflag:s8], $0x0  }
0x24: {  	s3 =	sadd.s32 $0x88, s3;
	s6 =	simm.s32 @!p1 $0x1082;
	[sflag:s4] =	ssyncset.s32 $0xFFFFF086  }
0x25: {  	[simem:s6], [sflag:s4] =	dma.local [hbm:s3], $0xF7A  }
0x26: {  	[smem:$0x3F9F] =	sst s1;
	(tag) =	ssettag s2;
	_ =	strace s9  }
0x27: {  	s1 =	sld [smem:$0x3FAF]  }
0x28: {  	s2 =	sld [smem:$0x3FB0]  }
0x29: {  	s4 =	sld [smem:$0x3FB2]  }
0x2a: {  	p0 =	seq.s32 s5, $0x0;
	s5 =	sld [smem:$0x3FB3]  }
0x2b: {  	s6 =	sld [smem:$0x3FB4]  }
0x2c: {  	s7 =	sld [smem:$0x3FB5]  }
0x2d: {  	s3 =	simm.s32 $0x108;
	s8 =	sld [smem:$0x3FB6]  }
0x2e: {  	s3 =	simm.s32 @!p0 $0x1082;
	s9 =	sld [smem:$0x3FB7]  }
0x2f: {  	lr =	sadd.s32 s0, s3;
	s0 =	sld [smem:$0x3FAE]  }
0x30: {  	s3 =	sld [smem:$0x3FB1]  }
0x31: {  	[smem:$0x3FBA] =	sst s10  }
0x32: {  	s10 =	sld [smem:$0x3FB8];
	_ =	sdelay $0x3  }
0x33: {  	p0 =	seq.s32 s10, $0x1;
	s10 =	sld [smem:$0x3FBA];
	_ =	sdelay $0x3  }
0x34: {  	[smem:$0x3FBA] =	sst s10  }
0x35: {  	s10 =	sld [smem:$0x3FB9];
	_ =	sdelay $0x3  }
0x36: {  	p1 =	seq.s32 s10, $0x1;
	s10 =	sld [smem:$0x3FBA];
	_ =	sdelay $0x3  }
0x37: {  	[smem:$0x3FBA] =	sst s10  }
0x38: {  	s10 =	sld [smem:$0x3FBB]  }
0x39: {  	_ = 	snop;
	(pc) =	sbr.ind lr, $3  }
0x3a: {  	_ = 	snop  }
0x3b: {  	_ = 	snop  }
0x3c: {  	p2 =	seq.s32 s10, $0x1;
	s10 =	sld [smem:$0x3FBA]  }
0x3d: {  	_ =	shalt  }
0x3e: {  	_ =	shalt  }
0x3f: {  	_ =	shalt  }
0x40: {  	_ =	shalt  }
0x41: {  	_ =	shalt  }
0x42: {  	_ =	shalt  }
0x43: {  	_ =	shalt  }
0x44: {  	_ =	shalt  }
0x45: {  	_ =	shalt  }
0x46: {  	_ =	shalt  }
0x47: {  	_ =	shalt  }
0x48: {  	_ =	shalt  }
0x49: {  	_ =	shalt  }
0x4a: {  	_ =	shalt  }
0x4b: {  	_ =	shalt  }
0x4c: {  	_ =	shalt  }
0x4d: {  	_ =	shalt  }
0x4e: {  	_ =	shalt  }
0x4f: {  	_ =	shalt  }
0x50: {  	_ =	shalt  }
0x51: {  	_ =	shalt  }
0x52: {  	_ =	shalt  }
0x53: {  	_ =	shalt  }
0x54: {  	_ =	shalt  }
0x55: {  	_ =	shalt  }
0x56: {  	_ =	shalt  }
0x57: {  	_ =	shalt  }
0x58: {  	_ =	shalt  }
0x59: {  	_ =	shalt  }
0x5a: {  	_ =	shalt  }
0x5b: {  	_ =	shalt  }
0x5c: {  	_ =	shalt  }
0x5d: {  	_ =	shalt  }
0x5e: {  	_ =	shalt  }
0x5f: {  	_ =	shalt  }
0x60: {  	_ =	shalt  }
0x61: {  	_ =	shalt  }
0x62: {  	_ =	shalt  }
0x63: {  	_ =	shalt  }
0x64: {  	_ =	shalt  }
0x65: {  	_ =	shalt  }
0x66: {  	_ =	shalt  }
0x67: {  	_ =	shalt  }
0x68: {  	_ =	shalt  }
0x69: {  	_ =	shalt  }
0x6a: {  	_ =	shalt  }
0x6b: {  	_ =	shalt  }
0x6c: {  	_ =	shalt  }
0x6d: {  	_ =	shalt  }
0x6e: {  	_ =	shalt  }
0x6f: {  	_ =	shalt  }
0x70: {  	_ =	shalt  }
0x71: {  	_ =	shalt  }
0x72: {  	_ =	shalt  }
0x73: {  	_ =	shalt  }
0x74: {  	_ =	shalt  }
0x75: {  	_ =	shalt  }
0x76: {  	_ =	shalt  }
0x77: {  	_ =	shalt  }
0x78: {  	_ =	shalt  }
0x79: {  	_ =	shalt  }
0x7a: {  	_ =	shalt  }
0x7b: {  	_ =	shalt  }
0x7c: {  	_ =	shalt  }
0x7d: {  	_ =	shalt  }
0x7e: {  	_ =	shalt  }
0x7f: {  	_ =	shalt  }
0x80: {  	_ =	shalt  }
0x81: {  	_ =	shalt  }
0x82: {  	_ =	shalt  }
0x83: {  	_ =	shalt  }
0x84: {  	_ =	shalt  }
0x85: {  	_ =	shalt  }
0x86: {  	_ =	shalt  }
0x87: {  	_ =	shalt  }
.Lfunc_end0:
.L_simem_size_0:
called_computation_lowered:
.L_overlay_start_0:
0x88: {  	s0 =	sld [smem:$0x3FD9]  }
0x89: {  	s1 =	sld [smem:$0x3FFE];
	_ =	sdelay $0x3  }
0x8a: {  	s0 =	sadd.s32 s1, s0  }
0x8b: {  	[smem:$0x3FC6] =	sst s0  }
0x8c: {  	_ = 	snop  }
0x8d: {  	s0 =	sld [smem:$0x3FC9]  }
0x8e: {  	s17 =	sld [smem:$0x3FC8]  }
0x8f: {  	s2 =	sld [smem:$0x3FD0];
	(tm) =	ssettm $0x1  }
0x90: {  	s3 =	sld [smem:$0x3FFB];
	_ =	sdelay $0x3  }
0x91: {  	_ =	strace s3  }
0x92: {  	s3 =	sld [smem:$0x3FFC];
	_ =	sdelay $0x3  }
0x93: {  	_ =	strace s3  }
0x94: {  	s3 =	sld [smem:$0x3FFD];
	_ =	sdelay $0x3  }
0x95: {  	_ =	strace s3  }
0x96: {  	_ =	strace $0x8FFFFFFF  }
0x97: {  	s18 =	sld [smem:$0x3FDB];
	_ =	sdelay $0x1  }
0x98: {  	s4 =	simm.s32 $_scs_section_size  }
0x99: {  	s5 =	simm.s32 $_size__tile_overlayer_lowered;
	s6 =	simm.s32 $_tile_overlayer_lowered  }
0x9a: {  	s21 =	simm.s32 $0x1BFF;
	s20 =	sshll.u32 s6, $0x1;
	s3 =	sadd.s32 s4, s18  }
0x9b: {  	s7 =	simm.s32 $0x0;
	s19 =	sshll.u32 s5, $0x1;
	s5 =	sadd.s32 s20, s3  }
0x9c: {  	[timem:s7], [sflag:s21] =	dma.local [hbm:s5], s19  }
0x9d: {  	_ =	swait.ge [sflag:s21], s19  }
0x9e: {  	s4 =	ssub.s32 $0x0, s19;
	[sflag:s21] =	ssyncset.done $0x0  }
0x9f: {  	[sflag:s21] =	ssyncadd.s32 s4;
	_ =	sdelay $0x1  }
0xa0: {  	s22 =	simm.s32 $0x1B8B  }
0xa1: {  	_ =	swait.ge [sflag:s22], $0x1  }
0xa2: {  	[sflag:s22] =	ssyncset.done $0x0  }
0xa3: {  	s23 =	simm.s32 $0x1B8E;
	[sflag:s22] =	ssyncadd.s32 $0xFFFFFFFF  }
0xa4: {  	s24 =	simm.s32 $execute0_lowered;
	[smem:$0x3FD2] =	sst s23  }
0xa5: {  	s4 =	sshll.u32 s24, $0x1;
	_ =	strace $0x80000046;
	[dreg:$0x1] =	wrdreg $0xFFFFFFFF  }
0xa6: {  	s25 =	simm.s32 $_size_execute0_lowered;
	s3 =	sadd.s32 s3, s4;
	[dreg:$0x0] =	wrdreg $0x0  }
0xa7: {  	s4 =	sshll.u32 s25, $0x1;
	[dreg:$0x2] =	wrdreg s3  }
0xa8: {  	[dreg:$0x3] =	wrdreg s4  }
0xa9: {  	[dreg:$0x4] =	wrdreg $0xC0  }
0xaa: {  	_ =	task [dreg:s7], $0x5FFFF  }
0xab: {  	[dreg:$0x1] =	wrdreg $0xFFFFFFFF  }
0xac: {  	[dreg:$0x0] =	wrdreg $0x60  }
0xad: {  	[dreg:$0x2] =	wrdreg s0  }
0xae: {  	[dreg:$0x3] =	wrdreg s17  }
0xaf: {  	[dreg:$0x4] =	wrdreg s2  }
0xb0: {  	[dreg:$0x5] =	wrdreg $0x9  }
0xb1: {  	_ =	task.clear_ibuf [dreg:s7], $0x6FFFF;
	_ =	strace $0x90000046  }
0xb2: {  	s26 =	simm.s32 $0x9;
	_ =	strace $0x80000048  }
0xb3: {  	_ =	swait.ge [sflag:s26], $0x1  }
0xb4: {  	[sflag:s26] =	ssyncadd.s32 $0xFFFFFFFF  }
0xb5: {  	_ =	strace $0x90000048  }
0xb6: {  	_ =	sfence  }
0xb7: {  	s28 =	sld [smem:$0x0];
	_ =	sdelay $0x1  }
0xb8: {  	s29 =	srdreg.scid  }
0xb9: {  	s30 =	sshll.u32 s29, $0xD;
	s31 =	sshrl.u32 s29, $0x2  }
0xba: {  	s1 =	sand.u32 $0x1, s29;
	s2 =	sand.u32 $0x4000, s30;
	s0 =	sadd.s32 s31, s28  }
0xbb: {  	s1 =	sor.u32 s2, s1;
	s0 =	sshll.u32 s0, $0x11  }
0xbc: {  	s0 =	sor.u32 s0, s1  }
0xbd: {  	s0 =	sadd.s32 $0x8F2B, s0  }
0xbe: {  	[sflag:s0] =	ssyncadd.remote.s32 $0x1  }
0xbf: {  	_ =	sfence.sel $0xFFFF  }
0xc0: {  	[dreg:$0x0] =	wrdreg $0xFFFFFFFF;
	(pc) =	sbr.abs _section_cstart, $3  }
0xc1: {  	[dreg:$0x1] =	wrdreg $0xFFFFFFFF  }
0xc2: {  	_ =	task.clear_ibuf [dreg:s7], $0x2FFFF;
	_ =	strace $0x9FFFFFFF  }
0xc3: {  	(tm) =	ssettm $0x7FFFFFFF  }
tec
execute0_lowered:
.L_overlay_start_1:
0x0: {  	(tag) =	ssettag $0x1  }
0x1: {  	s3 =	rddreg [dreg:$0x0]  }
0x2: {  	s1 =	rddreg [dreg:$0x1]  }
0x3: {  	s2 =	rddreg [dreg:$0x2];
	s4 =	simm.s32 $0x0  }
0x4: {  	[smem:$0x7FF] =	sst s4  }
0x5: {  	s0 =	rddreg [dreg:$0x3];
	s5 =	simm.s32 $0x2;
	_ =	strace $0x80000047  }
0x6: {  	[tilespmem:s4], [sflag:$0x2] =	stream.linear.gather [hbm4b:s1+s4], $0x11, $0x38;
	[tilespmem:$0x4100] =	vst v63  }
0x7: {  	_ =	swait.ge [sflag:s5], $0x11  }
0x8: {  	[sflag:s5] =	ssyncset.done $0x0  }
0x9: {  	s1 =	stileid.u32;
	[sflag:s5] =	ssyncadd.s32 $0xFFFFFFEF  }
0xa: {  	v0 =	vld [tilespmem:s1+$0x0];
	_ =	sdelay $0x4  }
0xb: {  	(v2sf) =	vpush v0, $0x0;
	_ =	sdelay $0xc  }
0xc: {  	(v2sf) =	vpush v0, $0x1;
	_ =	sdelay $0x1  }
0xd: {  	s6 =	spop (v2sf)  }
0xe: {  	s7 =	sand.u32 $0x7, s6  }
0xf: {  	s8 =	sshra.s32 s6, $0x1F;
	p0 =	slt.s32 s6, $0x1;
	p1 =	sne.s32 s7, $0x0  }
0x10: {  	s20 =	sshrl.u32 s8, $0x1D;
	p0 =	por !p0, !p1  }
0x11: {  	s8 =	simm.s32 $0x1;
	s7 =	sadd.s32 s20, s6;
	p0 =	por !p0, !p0  }
0x12: {  	s7 =	sshrl.u32 s7, $0x3;
	s8 =	simm.s32 @!p0 $0x0  }
0x13: {  	s7 =	ssub.s32 s7, s8  }
0x14: {  	s7 =	sshll.u32 s7, $0x3  }
0x15: {  	p0 =	slt.s32 s7, $0x6FF0  }
0x16: {  	s7 =	simm.s32 @!p0 $0x6FF0  }
0x17: {  	s22 =	simm.s32 $0x80;
	s21 =	sshrl.u32 s7, $0x3  }
0x18: {  	s23 =	sshll.u32 s6, $0x2;
	s7 =	sshll.u32 s7, $0x2;
	s3 =	sadd.s32 s3, s21  }
0x19: {  	[tilespmem:s22], [sflag:$0x2] =	stream.linear.gather [hbm4b:s3+s4], $0x1010, $0x38;
	[tilespmem:$0x4100] =	vst v63  }
0x1a: {  	s24 =	spop (v2sf);
	s3 =	ssub.s32 s23, s7  }
0x1b: {  	_ =	swait.ge [sflag:s5], $0x1010;
	s7 =	sadd.s32 $0x100, s3  }
0x1c: {  	[sflag:s5] =	ssyncset.done $0x0;
	s7 =	sshra.s32 s7, $0x2  }
0x1d: {  	[sflag:s5] =	ssyncadd.s32 $0xFFFFEFF0;
	s25 =	sadd.s32 $0x80, s7  }
0x1e: {  	v2 =	vld [tilespmem:s25+$0x30]  }
0x1f: {  	v3 =	vld [tilespmem:s25+$0xFFFFFFD0]  }
0x20: {  	v1 =	vlaneseq.u32;
	s26 =	simm.s32 $0x70;
	s6 =	ssub.s32 s24, s6;
	v7 =	vld [tilespmem:s25+$0xFFFFFFE0]  }
0x21: {  	s28 =	simm.s32 $0x10;
	v4 =	vor.u32 s26, v1;
	v0 =	vmov s6;
	v8 =	vld [tilespmem:s25+$0xFFFFFFF0]  }
0x22: {  	s29 =	simm.s32 $0x20;
	v5 =	vor.u32 s28, v1;
	vm0 =	vlt.s32 v4, v0;
	v6 =	vld [tilespmem:s25+$0x0]  }
0x23: {  	s30 =	simm.s32 $0x30;
	s6 =	simm.s32 $0x3140;
	vm1 =	vlt.s32 v5, v0;
	v4 =	vor.u32 s29, v1;
	v5 =	vld [tilespmem:s25+$0x10];
	v2 =	vnsel vm0, $0x3F800000, v2  }
0x24: {  	s31 =	simm.s32 $0x40;
	v9 =	vor.u32 s30, v1;
	v3 =	vnsel vm1, $0x3F800000, v3;
	vm0 =	vlt.s32 v4, v0;
	v4 =	vld [tilespmem:s25+$0x20];
	[tilespmem:s6+$0x30] =	vst v2  }
0x25: {  	s9 =	simm.s32 $0x50;
	s7 =	sadd.s32 $0x80, s25;
	v2 =	vld [tilespmem:s25+$0xFFFFFFC0];
	[tilespmem:s6+$0xFFFFFFD0] =	vst v3;
	v7 =	vnsel vm0, $0x3F800000, v7;
	vm0 =	vlt.s32 v9, v0;
	v9 =	vor.u32 s31, v1  }
0x26: {  	s8 =	simm.s32 $0x100;
	s5 =	simm.s32 $0x80;
	v3 =	vld [tilespmem:s7+$0x30];
	[tilespmem:s6+$0xFFFFFFE0] =	vst v7;
	v7 =	vnsel vm0, $0x3F800000, v8;
	vm0 =	vlt.s32 v9, v0;
	v8 =	vor.u32 s9, v1;
	s9 =	simm.s32 $0x60  }
.LBB2_1:
0x27: {  	p0 =	slt.u32 s8, $0x780;
	v9 =	vld [tilespmem:s7+$0xFFFFFFD0];
	[tilespmem:s6+$0xFFFFFFF0] =	vst v7;
	v6 =	vnsel vm0, $0x3F800000, v6;
	vm0 =	vlt.s32 v8, v0;
	v7 =	vor.u32 s9, v1  }
0x28: {  	s9 =	sadd.s32 $0x70, s5;
	v10 =	vor.u32 s4, v1;
	s4 =	smov.u32 s5;
	s5 =	smov.u32 s8;
	v8 =	vld [tilespmem:s7+$0xFFFFFFE0];
	[tilespmem:s6+$0x0] =	vst v6;
	v5 =	vnsel vm0, $0x3F800000, v5;
	vm0 =	vlt.s32 v7, v0  }
0x29: {  	s10 =	sadd.s32 $0x10, s4;
	v11 =	vor.u32 s9, v1;
	vm1 =	vlt.s32 v10, v0;
	v7 =	vld [tilespmem:s7+$0xFFFFFFF0];
	[tilespmem:s6+$0x10] =	vst v5;
	v4 =	vnsel vm0, $0x3F800000, v4  }
.Ltmp0:
0x2a: {  	s9 =	sadd.s32 $0x20, s4;
	v5 =	vor.u32 s10, v1;
	vm0 =	vlt.s32 v11, v0;
	v6 =	vld [tilespmem:s7+$0x0];
	v2 =	vnsel vm1, $0x3F800000, v2;
	[tilespmem:s6+$0x20] =	vst v4;
	(pc) =	sbr.rel @p0 .LBB2_1-.Ltmp0, $4  }
0x2b: {  	vm1 =	vlt.s32 v5, v0;
	v4 =	vor.u32 s9, v1;
	s9 =	sadd.s32 $0x30, s4;
	v5 =	vld [tilespmem:s7+$0x10];
	v3 =	vnsel vm0, $0x3F800000, v3;
	[tilespmem:s6+$0xFFFFFFC0] =	vst v2;
	s6 =	sadd.s32 $0x80, s6  }
0x2c: {  	vm0 =	vlt.s32 v4, v0;
	v10 =	vor.u32 s9, v1;
	s9 =	sadd.s32 $0x40, s4;
	v9 =	vnsel vm1, $0x3F800000, v9;
	v4 =	vld [tilespmem:s7+$0x20];
	[tilespmem:s6+$0x30] =	vst v3  }
0x2d: {  	v2 =	vld [tilespmem:s7+$0xFFFFFFC0];
	[tilespmem:s6+$0xFFFFFFD0] =	vst v9;
	v8 =	vnsel vm0, $0x3F800000, v8;
	vm0 =	vlt.s32 v10, v0;
	v9 =	vor.u32 s9, v1;
	s9 =	sadd.s32 $0x50, s4;
	s7 =	sadd.s32 $0x80, s7  }
0x2e: {  	s8 =	sadd.s32 $0x80, s8;
	v3 =	vld [tilespmem:s7+$0x30];
	[tilespmem:s6+$0xFFFFFFE0] =	vst v8;
	v7 =	vnsel vm0, $0x3F800000, v7;
	vm0 =	vlt.s32 v9, v0;
	v8 =	vor.u32 s9, v1;
	s9 =	sadd.s32 $0x60, s4  }
0x2f: {  	v9 =	vld [tilespmem:s7+$0xFFFFFFD0];
	[tilespmem:s6+$0xFFFFFFF0] =	vst v7;
	v6 =	vnsel vm0, $0x3F800000, v6;
	vm0 =	vlt.s32 v8, v0;
	v7 =	vor.u32 s9, v1  }
0x30: {  	v8 =	vld [tilespmem:s7+$0xFFFFFFE0];
	s8 =	sadd.s32 $0x70, s5;
	v10 =	vor.u32 s4, v1;
	[tilespmem:s6+$0x0] =	vst v6;
	v5 =	vnsel vm0, $0x3F800000, v5;
	vm0 =	vlt.s32 v7, v0  }
0x31: {  	s12 =	sadd.s32 $0x10, s5;
	v6 =	vld [tilespmem:s7+$0xFFFFFFF0];
	v7 =	vor.u32 s8, v1;
	vm1 =	vlt.s32 v10, v0;
	[tilespmem:s6+$0x10] =	vst v5;
	v4 =	vnsel vm0, $0x3F800000, v4  }
0x32: {  	s13 =	sadd.s32 $0x20, s5;
	v10 =	vld [tilespmem:s7+$0x0];
	v5 =	vor.u32 s12, v1;
	vm0 =	vlt.s32 v7, v0;
	v2 =	vnsel vm1, $0x3F800000, v2;
	[tilespmem:s6+$0x20] =	vst v4  }
0x33: {  	s14 =	sadd.s32 $0x30, s5;
	s15 =	sadd.s32 $0x80, s6;
	vm1 =	vlt.s32 v5, v0;
	v4 =	vor.u32 s13, v1;
	v5 =	vld [tilespmem:s7+$0x10];
	v3 =	vnsel vm0, $0x3F800000, v3;
	[tilespmem:s6+$0xFFFFFFC0] =	vst v2  }
0x34: {  	s16 =	sadd.s32 $0x40, s5;
	v7 =	vld [tilespmem:s7+$0x20];
	vm0 =	vlt.s32 v4, v0;
	v4 =	vor.u32 s14, v1;
	v2 =	vnsel vm1, $0x3F800000, v9;
	[tilespmem:s15+$0x30] =	vst v3  }
0x35: {  	s17 =	sadd.s32 $0x50, s5;
	v3 =	vld [tilespmem:s7+$0xFFFFFFC0];
	[tilespmem:s15+$0xFFFFFFD0] =	vst v2;
	v2 =	vnsel vm0, $0x3F800000, v8;
	vm0 =	vlt.s32 v4, v0;
	v4 =	vor.u32 s16, v1  }
0x36: {  	s18 =	sadd.s32 $0x60, s5;
	[tilespmem:s15+$0xFFFFFFE0] =	vst v2;
	v2 =	vnsel vm0, $0x3F800000, v6;
	vm0 =	vlt.s32 v4, v0;
	v4 =	vor.u32 s17, v1  }
0x37: {  	[tilespmem:s15+$0xFFFFFFF0] =	vst v2;
	v2 =	vnsel vm0, $0x3F800000, v10;
	vm0 =	vlt.s32 v4, v0;
	v4 =	vor.u32 s18, v1  }
0x38: {  	s19 =	sshll.u32 s1, $0x9;
	s20 =	sshll.u32 s1, $0x4;
	v1 =	vor.u32 s5, v1;
	[tilespmem:s15+$0x0] =	vst v2;
	v2 =	vnsel vm0, $0x3F800000, v5;
	vm0 =	vlt.s32 v4, v0  }
0x39: {  	s22 =	simm.s32 $0x80;
	s3 =	sadd.s32 $0x21C0, s3;
	s4 =	sor.u32 s20, s19;
	vm1 =	vlt.s32 v1, v0;
	[tilespmem:s15+$0x10] =	vst v2;
	v1 =	vnsel vm0, $0x3F800000, v7  }
0x3a: {  	s23 =	simm.s32 $0x400;
	s3 =	sshra.s32 s3, $0x2;
	s4 =	sand.u32 $0x1070, s4;
	v2 =	vnsel vm1, $0x3F800000, v3;
	[tilespmem:s15+$0x20] =	vst v1  }
0x3b: {  	s24 =	simm.s32 $0x3100;
	s3 =	sadd.s32 $0x80, s3;
	s21 =	sadd.s32 s2, s4;
	[tilespmem:s15+$0xFFFFFFC0] =	vst v2  }
0x3c: {  	[hbm4b:s21+s22] =	stream.strided.scatter [tilespmem:s24], [sflag:$0x1], $0x800, s23, s22, $0x38;
	[tilespmem:$0x4100] =	vst v63  }
0x3d: {  	v2 =	vld [tilespmem:s3+$0x0]  }
0x3e: {  	v3 =	vld [tilespmem:s3+$0xFFFFFFA0]  }
0x3f: {  	s25 =	simm.s32 $0x870;
	v1 =	vlaneseq.u32;
	v7 =	vld [tilespmem:s3+$0xFFFFFFB0]  }
0x40: {  	s26 =	simm.s32 $0x810;
	v4 =	vor.u32 s25, v1;
	v8 =	vld [tilespmem:s3+$0xFFFFFFC0]  }
0x41: {  	s28 =	simm.s32 $0x820;
	v5 =	vor.u32 s26, v1;
	v6 =	vld [tilespmem:s3+$0xFFFFFFD0];
	vm0 =	vlt.s32 v4, v0  }
0x42: {  	s29 =	simm.s32 $0x830;
	s5 =	simm.s32 $0x3970;
	vm1 =	vlt.s32 v5, v0;
	v4 =	vor.u32 s28, v1;
	v5 =	vld [tilespmem:s3+$0xFFFFFFE0];
	v2 =	vnsel vm0, $0x3F800000, v2  }
0x43: {  	s30 =	simm.s32 $0x840;
	v9 =	vor.u32 s29, v1;
	v3 =	vnsel vm1, $0x3F800000, v3;
	vm0 =	vlt.s32 v4, v0;
	v4 =	vld [tilespmem:s3+$0xFFFFFFF0];
	[tilespmem:s5+$0x0] =	vst v2  }
0x44: {  	s31 =	simm.s32 $0x850;
	s9 =	simm.s32 $0x860;
	s6 =	sadd.s32 $0x80, s3;
	v2 =	vld [tilespmem:s3+$0xFFFFFF90];
	[tilespmem:s5+$0xFFFFFFA0] =	vst v3;
	v7 =	vnsel vm0, $0x3F800000, v7;
	vm0 =	vlt.s32 v9, v0;
	v9 =	vor.u32 s30, v1  }
0x45: {  	s8 =	simm.s32 $0x900;
	s7 =	simm.s32 $0x800;
	s3 =	simm.s32 $0x880;
	v3 =	vld [tilespmem:s6+$0x0];
	[tilespmem:s5+$0xFFFFFFB0] =	vst v7;
	v7 =	vnsel vm0, $0x3F800000, v8;
	vm0 =	vlt.s32 v9, v0;
	v8 =	vor.u32 s31, v1  }
.LBB2_3:
0x46: {  	p0 =	slt.u32 s8, $0xF80;
	v9 =	vld [tilespmem:s6+$0xFFFFFFA0];
	[tilespmem:s5+$0xFFFFFFC0] =	vst v7;
	v6 =	vnsel vm0, $0x3F800000, v6;
	vm0 =	vlt.s32 v8, v0;
	v7 =	vor.u32 s9, v1  }
0x47: {  	s9 =	sadd.s32 $0x70, s3;
	v10 =	vor.u32 s7, v1;
	s7 =	smov.u32 s3;
	s3 =	smov.u32 s8;
	v8 =	vld [tilespmem:s6+$0xFFFFFFB0];
	[tilespmem:s5+$0xFFFFFFD0] =	vst v6;
	v5 =	vnsel vm0, $0x3F800000, v5;
	vm0 =	vlt.s32 v7, v0  }
0x48: {  	s10 =	sadd.s32 $0x10, s7;
	v11 =	vor.u32 s9, v1;
	vm1 =	vlt.s32 v10, v0;
	v7 =	vld [tilespmem:s6+$0xFFFFFFC0];
	[tilespmem:s5+$0xFFFFFFE0] =	vst v5;
	v4 =	vnsel vm0, $0x3F800000, v4  }
.Ltmp1:
0x49: {  	s9 =	sadd.s32 $0x20, s7;
	v5 =	vor.u32 s10, v1;
	vm0 =	vlt.s32 v11, v0;
	v6 =	vld [tilespmem:s6+$0xFFFFFFD0];
	v2 =	vnsel vm1, $0x3F800000, v2;
	[tilespmem:s5+$0xFFFFFFF0] =	vst v4;
	(pc) =	sbr.rel @p0 .LBB2_3-.Ltmp1, $4  }
0x4a: {  	vm1 =	vlt.s32 v5, v0;
	v4 =	vor.u32 s9, v1;
	s9 =	sadd.s32 $0x30, s7;
	v5 =	vld [tilespmem:s6+$0xFFFFFFE0];
	v3 =	vnsel vm0, $0x3F800000, v3;
	[tilespmem:s5+$0xFFFFFF90] =	vst v2;
	s5 =	sadd.s32 $0x80, s5  }
0x4b: {  	vm0 =	vlt.s32 v4, v0;
	v10 =	vor.u32 s9, v1;
	s9 =	sadd.s32 $0x40, s7;
	v9 =	vnsel vm1, $0x3F800000, v9;
	v4 =	vld [tilespmem:s6+$0xFFFFFFF0];
	[tilespmem:s5+$0x0] =	vst v3  }
0x4c: {  	v2 =	vld [tilespmem:s6+$0xFFFFFF90];
	[tilespmem:s5+$0xFFFFFFA0] =	vst v9;
	v8 =	vnsel vm0, $0x3F800000, v8;
	vm0 =	vlt.s32 v10, v0;
	v9 =	vor.u32 s9, v1;
	s9 =	sadd.s32 $0x50, s7;
	s6 =	sadd.s32 $0x80, s6  }
0x4d: {  	s8 =	sadd.s32 $0x80, s8;
	v3 =	vld [tilespmem:s6+$0x0];
	[tilespmem:s5+$0xFFFFFFB0] =	vst v8;
	v7 =	vnsel vm0, $0x3F800000, v7;
	vm0 =	vlt.s32 v9, v0;
	v8 =	vor.u32 s9, v1;
	s9 =	sadd.s32 $0x60, s7  }
0x4e: {  	v9 =	vld [tilespmem:s6+$0xFFFFFFA0];
	[tilespmem:s5+$0xFFFFFFC0] =	vst v7;
	v6 =	vnsel vm0, $0x3F800000, v6;
	vm6 =	vlt.s32 v8, v0;
	v43 =	vor.u32 s9, v1  }
0x4f: {  	v44 =	vld [tilespmem:s6+$0xFFFFFFB0];
	s8 =	sadd.s32 $0x70, s3;
	v10 =	vor.u32 s7, v1;
	[tilespmem:s5+$0xFFFFFFD0] =	vst v6;
	v5 =	vnsel vm6, $0x3F800000, v5;
	vm7 =	vlt.s32 v43, v0  }
0x50: {  	s20 =	sadd.s32 $0x10, s3;
	v45 =	vld [tilespmem:s6+$0xFFFFFFC0];
	v46 =	vor.u32 s8, v1;
	vm1 =	vlt.s32 v10, v0;
	[tilespmem:s5+$0xFFFFFFE0] =	vst v5;
	v4 =	vnsel vm7, $0x3F800000, v4  }
0x51: {  	s21 =	sadd.s32 $0x20, s3;
	v48 =	vld [tilespmem:s6+$0xFFFFFFD0];
	v47 =	vor.u32 s20, v1;
	vm8 =	vlt.s32 v46, v0;
	v2 =	vnsel vm1, $0x3F800000, v2;
	[tilespmem:s5+$0xFFFFFFF0] =	vst v4  }
0x52: {  	s22 =	sadd.s32 $0x30, s3;
	v50 =	vld [tilespmem:s6+$0xFFFFFFE0];
	s23 =	sadd.s32 $0x80, s5;
	v49 =	vor.u32 s21, v1;
	vm9 =	vlt.s32 v47, v0;
	v3 =	vnsel vm8, $0x3F800000, v3;
	[tilespmem:s5+$0xFFFFFF90] =	vst v2  }
0x53: {  	s24 =	sadd.s32 $0x40, s3;
	v53 =	vld [tilespmem:s6+$0xFFFFFFF0];
	v52 =	vor.u32 s22, v1;
	vm10 =	vlt.s32 v49, v0;
	v51 =	vnsel vm9, $0x3F800000, v9;
	[tilespmem:s23+$0x0] =	vst v3  }
0x54: {  	v54 =	vld [tilespmem:s6+$0xFFFFFF90];
	s25 =	sadd.s32 $0x50, s3;
	v56 =	vor.u32 s24, v1;
	vm11 =	vlt.s32 v52, v0;
	v55 =	vnsel vm10, $0x3F800000, v44;
	[tilespmem:s23+$0xFFFFFFA0] =	vst v51  }
0x55: {  	s26 =	sadd.s32 $0x60, s3;
	v58 =	vor.u32 s25, v1;
	vm12 =	vlt.s32 v56, v0;
	v57 =	vnsel vm11, $0x3F800000, v45;
	[tilespmem:s23+$0xFFFFFFB0] =	vst v55  }
0x56: {  	v60 =	vor.u32 s26, v1;
	vm13 =	vlt.s32 v58, v0;
	v59 =	vnsel vm12, $0x3F800000, v48;
	[tilespmem:s23+$0xFFFFFFC0] =	vst v57  }
0x57: {  	v61 =	vor.u32 s3, v1;
	vm14 =	vlt.s32 v60, v0;
	v62 =	vnsel vm13, $0x3F800000, v50;
	[tilespmem:s23+$0xFFFFFFD0] =	vst v59  }
0x58: {  	vm15 =	vlt.s32 v61, v0;
	v63 =	vnsel vm14, $0x3F800000, v53;
	[tilespmem:s23+$0xFFFFFFE0] =	vst v62  }
0x59: {  	s2 =	sadd.s32 s4, s2;
	s28 =	simm.s32 $0x80;
	s29 =	simm.s32 $0x400;
	v1 =	vnsel vm15, $0x3F800000, v54;
	[tilespmem:s23+$0xFFFFFFF0] =	vst v63  }
0x5a: {  	s30 =	simm.s32 $0x3900;
	s31 =	simm.s32 $0x1;
	s2 =	sadd.s32 $0x800, s2;
	[tilespmem:s23+$0xFFFFFF90] =	vst v1  }
0x5b: {  	[hbm4b:s2+s28] =	stream.strided.scatter [tilespmem:s30], [sflag:$0x1], $0x800, s29, s28, $0x38;
	[tilespmem:$0x4100] =	vst v63  }
0x5c: {  	_ =	swait.ge [sflag:s31], $0x800  }
0x5d: {  	[sflag:s31] =	ssyncset.done $0x0  }
0x5e: {  	[sflag:s31] =	ssyncadd.s32 $0xFFFFF800  }
0x5f: {  	_ =	swait.ge [sflag:s31], $0x800  }
0x60: {  	[sflag:s31] =	ssyncset.done $0x0  }
0x61: {  	[sflag:s31] =	ssyncadd.s32 $0xFFFFF800  }
0x62: {  	_ =	sfence.sel $0x180000  }
0x63: {  	[bflag:$0x0] =	sbarrier.arrive $0xFFFF  }
0x64: {  	p0 =	sne.s32 s1, $0x0;
	_ =	strace $0x90000047  }
0x65: {  	s0 =	sadd.s32 @!p0 $0x100000, s0;
	[bflag:$0x2] =	sbarrier.arrive $0xFFFF  }
0x66: {  	[sflag:s0] =	ssyncadd.tile.s32 @!p0 $0x1;
	_ =	shalt  }
.Lfunc_end2:
_tile_overlayer_lowered:
.L_overlay_start_2:
0x67: {  	(tag) =	ssettag $0x2  }
0x68: {  	s0 =	rddreg [dreg:$0x0];
	s2 =	stileid.u32  }
0x69: {  	s1 =	rddreg [dreg:$0x1];
	p0 =	sne.s32 s2, $0x0  }
0x6a: {  	s3 =	rddreg [dreg:$0x2];
	[bflag:$0x3] =	sbarrier.arrive $0xFFFF;
	s2 =	simm.s32 @!p0 $0x1C02  }
0x6b: {  	[timem:s3], [sflag:s2] =	dma.local @!p0 [hbm:s0], s1  }
0x6c: {  	s0 =	simm.s32 @!p0 $0x2  }
0x6d: {  	_ =	swait.ge @!p0 [sflag:s0], s1  }
0x6e: {  	s1 =	ssub.s32 @!p0 $0x0, s1;
	[sflag:s0] =	ssyncset.done @!p0 $0x0  }
0x6f: {  	[sflag:s0] =	ssyncadd.s32 @!p0 s1  }
0x70: {  	[bflag:$0x3] =	sbarrier.arrive $0xFFFF  }
0x71: {  	_ =	shalt  }

</sc_bundles>
